<compile_context>
chip_gen: v7x
topology: tpu7x:2x2x1
jax: 0.10.2.dev20260603
libtpu: 0.0.44.dev20260713+nightly
codegen_flags: <defaults>
</compile_context>

<pallas_src>
import functools

import jax
import jax.numpy as jnp
import numpy as np
from jax import lax
from jax.experimental import pallas as pl
from jax.experimental.pallas import tpu as pltpu
from jax.experimental.pallas import tpu_sc as plsc

N = 10000
E = 320000
F = 128
RATIO = 0.3
NEG_SLOPE = 0.2
EPS = 1e-8

_NC = 2
_NS = 16
_NW = _NC * _NS
_C = 128


def _layer_norm(v, g, b, eps=1e-5):
    mu = jnp.mean(v, axis=-1, keepdims=True)
    var = jnp.var(v, axis=-1, keepdims=True)
    return (v - mu) / jnp.sqrt(var + eps) * g + b


def _silu(v):
    return v * jax.nn.sigmoid(v)


@functools.partial(jax.jit, static_argnums=(2,))
def _sc_gather_rows(table, idx_list, n_out):
    rows, D = table.shape
    n_idx = len(idx_list)
    nblocks = n_out // _C
    iters = (nblocks + _NW - 1) // _NW
    mesh = plsc.VectorSubcoreMesh(core_axis_name="c", subcore_axis_name="s")

    def body(*refs):
        table_hbm = refs[0]
        idx_hbms = refs[1:1 + n_idx]
        out_hbms = refs[1 + n_idx:1 + 2 * n_idx]
        idx_v, rows_v, sem = refs[1 + 2 * n_idx:]
        wid = lax.axis_index("s") * _NC + lax.axis_index("c")

        def step(g, carry):
            blk = g * _NW + wid

            @pl.when(blk < nblocks)
            def _():
                off = blk * _C
                for q in range(n_idx):
                    pltpu.sync_copy(idx_hbms[q].at[pl.ds(off, _C)], idx_v)
                    pltpu.async_copy(table_hbm.at[idx_v], rows_v, sem).wait()
                    pltpu.sync_copy(rows_v, out_hbms[q].at[pl.ds(off, _C)])

            return carry

        lax.fori_loop(0, iters, step, 0)

    out = pl.kernel(
        body,
        out_type=tuple(jax.ShapeDtypeStruct((n_out, D), jnp.float32) for _ in range(n_idx)),
        mesh=mesh,
        scratch_types=[
            pltpu.VMEM((_C,), jnp.int32),
            pltpu.VMEM((_C, D), jnp.float32),
            pltpu.SemaphoreType.DMA,
        ],
    )(table, *idx_list)
    return out


_CS = 2000


@functools.partial(jax.jit, static_argnums=(2,))
def _sc_gather_scalars(tables, idx_list, n_out):
    n_idx = len(idx_list)
    n_tbl = tables[0].shape[0]
    per_w = n_out // _NW
    nchunks = per_w // _CS
    mesh = plsc.VectorSubcoreMesh(core_axis_name="c", subcore_axis_name="s")

    assert n_tbl % 16 == 0

    def body(*refs):
        tbl_hbms = refs[0:n_idx]
        idx_hbms = refs[n_idx:2 * n_idx]
        out_hbms = refs[2 * n_idx:3 * n_idx]
        tbl_vs = refs[3 * n_idx:4 * n_idx]
        idx_v = refs[4 * n_idx]
        out_v = refs[4 * n_idx + 1]
        wid = lax.axis_index("s") * _NC + lax.axis_index("c")
        for q in range(n_idx):
            pltpu.sync_copy(tbl_hbms[q], tbl_vs[q])
        base = wid * per_w

        def chunk(c, carry):
            off = base + c * _CS
            for q in range(n_idx):
                pltpu.sync_copy(idx_hbms[q].at[pl.ds(off, _CS)], idx_v)

                def vec(t, carry2):
                    ids = idx_v[pl.ds(t * 16, 16)]
                    hi = lax.shift_right_logical(ids, 4)
                    lo = lax.bitwise_and(ids, jnp.int32(15))
                    out_v[pl.ds(t * 16, 16)] = plsc.load_gather(tbl_vs[q], [hi, lo])
                    return carry2

                lax.fori_loop(0, _CS // 16, vec, 0)
                pltpu.sync_copy(out_v, out_hbms[q].at[pl.ds(off, _CS)])
            return carry

        lax.fori_loop(0, nchunks, chunk, 0)

    out = pl.kernel(
        body,
        out_type=tuple(jax.ShapeDtypeStruct((n_out,), jnp.float32) for _ in range(n_idx)),
        mesh=mesh,
        scratch_types=[*(pltpu.VMEM((n_tbl // 16, 16), jnp.float32) for _ in range(n_idx)),
                       pltpu.VMEM((_CS,), jnp.int32),
                       pltpu.VMEM((_CS,), jnp.float32)],
        compiler_params=pltpu.CompilerParams(needs_layout_passes=False),
    )(*(t.reshape(n_tbl // 16, 16) for t in tables), *idx_list)
    return out


def _scale_body(xg_ref, tv_ref, o_ref):
    o_ref[...] = xg_ref[...] * tv_ref[...]


def kernel(x, pos, edge_index, Wq, bq, Watt, batt, le_w, le_W1, le_b1, le_W2, le_b2, m_W1, m_b1, m_W2, m_b2, a_W, a_b, u_W1, u_b1, u_W2, u_b2, p_W1, p_b1, p_W2, ln_g, ln_b, coors_scale):
    src = edge_index[0]; dst = edge_index[1]

    ln_x = _layer_norm(x, ln_g, ln_b)
    t1 = jnp.concatenate([ln_x, pos, jnp.zeros((N, 125), jnp.float32)], axis=1)
    g1d, g1s = _sc_gather_rows(t1, (dst, src), E)
    ln_i = g1d[:, :F]; ln_j = g1s[:, :F]
    pos_dir = g1d[:, F:F + 3] - g1s[:, F:F + 3]
    dist = jnp.linalg.norm(pos_dir, axis=-1, keepdims=True)
    m_in = jnp.concatenate([ln_i, ln_j, dist], axis=-1)
    h = _silu(m_in @ m_W1 + m_b1)
    msg = _silu(h @ m_W2 + m_b2)
    msg = jax.nn.sigmoid(msg @ a_W + a_b) * msg
    agg_node = jax.ops.segment_sum(msg, dst, num_segments=N)
    x_pool = _silu(jnp.concatenate([x, agg_node], axis=-1) @ u_W1 + u_b1) @ u_W2 + u_b2 + x

    i = src; j = dst
    t2 = jnp.concatenate([x_pool, x], axis=1)
    (g2d,) = _sc_gather_rows(t2, (dst,), E)
    x_pool_j = g2d[:, :F]
    x_j = g2d[:, F:]
    X_q = jax.ops.segment_max(x_pool_j, i, num_segments=N)
    X_q = jnp.where(jnp.isfinite(X_q), X_q, 0.0)
    mq_t = X_q @ Wq + bq
    (M_q,) = _sc_gather_rows(mq_t, (src,), E)
    score = (jnp.concatenate([M_q, x_pool_j], axis=-1) @ Watt + batt)[:, 0]
    score = jax.nn.leaky_relu(score, NEG_SLOPE)
    smax = jax.ops.segment_max(score, i, num_segments=N)
    smax = jnp.where(jnp.isfinite(smax), smax, 0.0)
    (smax_e,) = _sc_gather_scalars((smax,), (src,), E)
    ex = jnp.exp(score - smax_e)
    denom = jax.ops.segment_sum(ex, i, num_segments=N)
    (denom_e,) = _sc_gather_scalars((denom,), (src,), E)
    attn = ex / (denom_e + 1e-16)
    x_agg = jax.ops.segment_sum(x_j * attn[:, None], i, num_segments=N)

    ew = jnp.where(i == j, 0.0, 1.0).astype(x.dtype)
    deg = jax.ops.segment_sum(ew, i, num_segments=N)
    lw = (x_agg @ le_w)[:, 0]
    (lw_e,) = _sc_gather_scalars((lw,), (dst,), E)
    aggr = jax.ops.segment_sum(ew[:, None] * lw_e[:, None], i, num_segments=N)
    le_out = deg[:, None] * (x_agg @ le_W1 + le_b1) + aggr + (x_agg @ le_W2 + le_b2)
    fitness = jax.nn.sigmoid(le_out)[:, 0]

    k = int(np.ceil(RATIO * N))
    topv, perm = jax.lax.top_k(fitness, k)
    x_out = pl.pallas_call(
        _scale_body,
        out_shape=jax.ShapeDtypeStruct((k, F), jnp.float32),
    )(x_agg[perm], topv[:, None])
    return x_out, fitness, perm

# --- scband reference (transcript-rebuilt; emitter-appended) ---
"""Pipeline reference for scband-asap-pooling-43310450213008 (READ-ONLY COPY).

The authoritative reference and input builder live on the scoring server;
editing this copy changes nothing except your own understanding.
"""

import jax, jax.numpy as jnp
import numpy as np

N = 10000
E = 320000
F = 128
RATIO = 0.3
NEG_SLOPE = 0.2
EPS = 1e-8

def layer_norm(v, g, b, eps=1e-5):
    mu = jnp.mean(v, axis=-1, keepdims=True)
    var = jnp.var(v, axis=-1, keepdims=True)
    return (v - mu) / jnp.sqrt(var + eps) * g + b

def silu(v):
    return v * jax.nn.sigmoid(v)

def setup_inputs(seed: int = 0):
    key = jax.random.key(seed)
    ks = jax.random.split(key, 32)
    p = lambda k, s: (jax.random.normal(k, s, dtype=jnp.float32) * 0.05)
    inp = {}
    inp['x'] = jax.random.normal(ks[0], (N, F), dtype=jnp.float32)
    inp['pos'] = jax.random.normal(ks[1], (N, 3), dtype=jnp.float32)
    inp['edge_index'] = jax.random.randint(ks[2], (2, E), 0, N, dtype=jnp.int32)
    inp['Wq'] = p(ks[3], (F, F)); inp['bq'] = jnp.zeros((F,), jnp.float32)
    inp['Watt'] = p(ks[4], (2 * F, 1)); inp['batt'] = jnp.zeros((1,), jnp.float32)
    inp['le_w'] = p(ks[5], (F, 1))
    inp['le_W1'] = p(ks[6], (F, 1)); inp['le_b1'] = jnp.zeros((1,), jnp.float32)
    inp['le_W2'] = p(ks[7], (F, 1)); inp['le_b2'] = jnp.zeros((1,), jnp.float32)
    inp['m_W1'] = p(ks[8], (2 * F + 1, F)); inp['m_b1'] = jnp.zeros((F,), jnp.float32)
    inp['m_W2'] = p(ks[9], (F, F)); inp['m_b2'] = jnp.zeros((F,), jnp.float32)
    inp['a_W'] = p(ks[10], (F, 1)); inp['a_b'] = jnp.zeros((1,), jnp.float32)
    inp['u_W1'] = p(ks[11], (2 * F, F)); inp['u_b1'] = jnp.zeros((F,), jnp.float32)
    inp['u_W2'] = p(ks[12], (F, F)); inp['u_b2'] = jnp.zeros((F,), jnp.float32)
    inp['p_W1'] = p(ks[13], (F, F)); inp['p_b1'] = jnp.zeros((F,), jnp.float32)
    inp['p_W2'] = p(ks[14], (F, 1)) * 0.02
    inp['ln_g'] = jnp.ones((F,), jnp.float32); inp['ln_b'] = jnp.zeros((F,), jnp.float32)
    inp['coors_scale'] = jnp.full((1,), 0.01, jnp.float32)
    return inp

def _forward(x, pos, Wq, bq, Watt, batt, le_w, le_W1, le_b1, le_W2, le_b2, m_W1, m_b1, m_W2, m_b2, a_W, a_b, u_W1, u_b1, u_W2, u_b2, p_W1, p_b1, p_W2, ln_g, ln_b, coors_scale, edge_index):
    src = edge_index[0]; dst = edge_index[1]
    # --- EGNN intra-cluster layer (messages src->dst, aggregated at dst) ---
    x_i = x[dst]; x_j = x[src]
    pos_dir = pos[dst] - pos[src]
    dist = jnp.linalg.norm(pos_dir, axis=-1, keepdims=True)
    m_in = jnp.concatenate([layer_norm(x_i, ln_g, ln_b), layer_norm(x_j, ln_g, ln_b), dist], axis=-1)
    h = silu(m_in @ m_W1 + m_b1)
    msg = silu(h @ m_W2 + m_b2)
    msg = jax.nn.sigmoid(msg @ a_W + a_b) * msg
    pdn = pos_dir / jnp.maximum(dist, EPS) * coors_scale
    pos_msg = pdn * (silu(msg @ p_W1 + p_b1) @ p_W2)
    agg_node = jax.ops.segment_sum(msg, dst, num_segments=N)
    cnt = jax.ops.segment_sum(jnp.ones((E, 1), x.dtype), dst, num_segments=N)
    agg_pos = jax.ops.segment_sum(pos_msg, dst, num_segments=N) / jnp.maximum(cnt, 1.0)
    x_pool = silu(jnp.concatenate([x, agg_node], axis=-1) @ u_W1 + u_b1) @ u_W2 + u_b2 + x
    # --- ASAP master-query attention (i = edge_index[0], j = edge_index[1]) ---
    i = src; j = dst
    x_pool_j = x_pool[j]
    X_q = jax.ops.segment_max(x_pool_j, i, num_segments=N)
    X_q = jnp.where(jnp.isfinite(X_q), X_q, 0.0)
    M_q = (X_q @ Wq + bq)[i]
    score = (jnp.concatenate([M_q, x_pool_j], axis=-1) @ Watt + batt)[:, 0]
    score = jax.nn.leaky_relu(score, NEG_SLOPE)
    smax = jax.ops.segment_max(score, i, num_segments=N)
    smax = jnp.where(jnp.isfinite(smax), smax, 0.0)
    ex = jnp.exp(score - smax[i])
    denom = jax.ops.segment_sum(ex, i, num_segments=N)
    attn = ex / (denom[i] + 1e-16)
    x_agg = jax.ops.segment_sum(x[j] * attn[:, None], i, num_segments=N)
    # --- LEConv fitness (self-loop edges get zero weight, matching remove_self_loops) ---
    ew = jnp.where(i == j, 0.0, 1.0).astype(x.dtype)
    deg = jax.ops.segment_sum(ew, i, num_segments=N)
    aggr = jax.ops.segment_sum(ew[:, None] * (x_agg @ le_w)[j], i, num_segments=N)
    le_out = deg[:, None] * (x_agg @ le_W1 + le_b1) + aggr + (x_agg @ le_W2 + le_b2)
    fitness = jax.nn.sigmoid(le_out)[:, 0]
    # --- top-k cluster selection ---
    k = int(np.ceil(RATIO * N))
    topv, perm = jax.lax.top_k(fitness, k)
    x_out = x_agg[perm] * topv[:, None]
    return x_out, fitness, perm

def reference(x, pos, edge_index, Wq, bq, Watt, batt, le_w, le_W1, le_b1, le_W2, le_b2, m_W1, m_b1, m_W2, m_b2, a_W, a_b, u_W1, u_b1, u_W2, u_b2, p_W1, p_b1, p_W2, ln_g, ln_b, coors_scale):
    return _forward(x, pos, Wq, bq, Watt, batt, le_w, le_W1, le_b1, le_W2, le_b2, m_W1, m_b1, m_W2, m_b2, a_W, a_b, u_W1, u_b1, u_W2, u_b2, p_W1, p_b1, p_W2, ln_g, ln_b, coors_scale, edge_index)

if __name__ == "__main__":
    import jax
    _d = setup_inputs()
    print(jax.jit(kernel)(*tuple(_d.values())))

</pallas_src>

<mosaic_0001>
#map = affine_map<(d0, d1) -> (0, 0)>
#map1 = affine_map<(d0, d1) -> (0)>
module attributes {stable_mosaic.version = 14 : i64} {
  func.func @body(%arg0: i32, %arg1: i32, %arg2: memref<10000x256xf32, #tpu.memory_space<hbm>>, %arg3: memref<320000xi32, #tpu.memory_space<hbm>>, %arg4: memref<320000xi32, #tpu.memory_space<hbm>>, %arg5: memref<320000x256xf32, #tpu.memory_space<hbm>>, %arg6: memref<320000x256xf32, #tpu.memory_space<hbm>>, %arg7: memref<128xi32, #tpu.memory_space<vmem>>, %arg8: memref<128x256xf32, #tpu.memory_space<vmem>>, %arg9: memref<!tpu.dma_semaphore, #tpu.memory_space<semaphore_mem>>) attributes {dimension_semantics = [#tpu.dimension_semantics<core_parallel>, #tpu.dimension_semantics<subcore_parallel>], iteration_bounds = array<i64: 2, 16>, scalar_prefetch = 0 : i64, scratch_operands = 3 : i64, tpu.core_type = #tpu.core_type<sc_vector_subcore>, window_params = [{transform_indices = #map}, {transform_indices = #map1}, {transform_indices = #map1}, {transform_indices = #map}, {transform_indices = #map}]} {
    %mul3A = arith.constant 2 : i32
    %mul3A_0 = arith.muli %arg1, %mul3A : i32
    %add3A = arith.addi %mul3A_0, %arg0 : i32
    %scan3A = arith.constant 0 : i32
    %scan3A_1 = arith.constant 0 : i32
    %scan3A_2 = arith.constant 79 : i32
    %scan3A_3 = arith.addi %scan3A_1, %scan3A_2 : i32
    %scan3A_4 = arith.constant 1 : i32
    scf.for %scan3A_6 = %scan3A_1 to %scan3A_3 step %scan3A_4  : i32 {
      %mul3A_7 = arith.constant 32 : i32
      %mul3A_8 = arith.muli %scan3A_6, %mul3A_7 : i32
      %add3A_9 = arith.addi %mul3A_8, %add3A : i32
      %lt3A = arith.constant 2500 : i32
      %lt3A_10 = arith.cmpi slt, %add3A_9, %lt3A : i32
      %convert_element_type3A = arith.extui %lt3A_10 : i1 to i32
      %cond3A = arith.constant 0 : i32
      %cond3A_11 = arith.cmpi ne, %convert_element_type3A, %cond3A : i32
      scf.if %cond3A_11 {
        %mul3A_12 = arith.constant 128 : i32
        %mul3A_13 = arith.muli %add3A_9, %mul3A_12 : i32
        "tpu.region"() ({
          %run_scoped3A = tpu.sem_alloc : memref<!tpu.dma_semaphore, #tpu.memory_space<semaphore_mem>>
          %dma_start3A_24 = tpu.memref_slice %arg3[%mul3A_13] : memref<320000xi32, #tpu.memory_space<hbm>> -> memref<128xi32, #tpu.memory_space<hbm>>
          %dma_start3A_25 = tpu.memref_slice %arg3[%mul3A_13] : memref<320000xi32, #tpu.memory_space<hbm>> -> memref<128xi32, #tpu.memory_space<hbm>>
          tpu.enqueue_dma source(%dma_start3A_25 : memref<128xi32, #tpu.memory_space<hbm>>) target(%arg7 : memref<128xi32, #tpu.memory_space<vmem>>) target_semaphore(%run_scoped3A : memref<!tpu.dma_semaphore, #tpu.memory_space<semaphore_mem>>)
          %dma_wait3A_26 = tpu.memref_slice %arg3[%mul3A_13] : memref<320000xi32, #tpu.memory_space<hbm>> -> memref<128xi32, #tpu.memory_space<hbm>>
          %dma_wait3A_27 = tpu.memref_slice %arg3[%mul3A_13] : memref<320000xi32, #tpu.memory_space<hbm>> -> memref<128xi32, #tpu.memory_space<hbm>>
          tpu.wait_dma2 semaphore(%run_scoped3A : memref<!tpu.dma_semaphore, #tpu.memory_space<semaphore_mem>>) src(%dma_wait3A_27 : memref<128xi32, #tpu.memory_space<hbm>>) dst(%arg7 : memref<128xi32, #tpu.memory_space<vmem>>)
          tpu.yield
        }) : () -> ()
        %dma_start3A = arith.constant 0 : i32
        %dma_start3A_14 = arith.constant 0 : i32
        %dma_start3A_15 = tpu.memref_slice %arg2[%dma_start3A, %dma_start3A_14] : memref<10000x256xf32, #tpu.memory_space<hbm>> -> memref<10000x256xf32, #tpu.memory_space<hbm>>
        tpu.enqueue_indirect_dma source(%dma_start3A_15 : memref<10000x256xf32, #tpu.memory_space<hbm>>) target(%arg8 : memref<128x256xf32, #tpu.memory_space<vmem>>) offsets(%arg7 : memref<128xi32, #tpu.memory_space<vmem>>) semaphore(%arg9 : memref<!tpu.dma_semaphore, #tpu.memory_space<semaphore_mem>>)
        %dma_wait3A = arith.constant 0 : i32
        %dma_wait3A_16 = arith.constant 0 : i32
        %dma_wait3A_17 = tpu.memref_slice %arg2[%dma_wait3A, %dma_wait3A_16] : memref<10000x256xf32, #tpu.memory_space<hbm>> -> memref<10000x256xf32, #tpu.memory_space<hbm>>
        tpu.wait_indirect_dma semaphore(%arg9 : memref<!tpu.dma_semaphore, #tpu.memory_space<semaphore_mem>>) src(%dma_wait3A_17 : memref<10000x256xf32, #tpu.memory_space<hbm>>) dst(%arg8 : memref<128x256xf32, #tpu.memory_space<vmem>>)
        "tpu.region"() ({
          %run_scoped3A = tpu.sem_alloc : memref<!tpu.dma_semaphore, #tpu.memory_space<semaphore_mem>>
          %dma_start3A_24 = arith.constant 0 : i32
          %dma_start3A_25 = tpu.memref_slice %arg5[%mul3A_13, %dma_start3A_24] : memref<320000x256xf32, #tpu.memory_space<hbm>> -> memref<128x256xf32, #tpu.memory_space<hbm>>
          %dma_start3A_26 = arith.constant 0 : i32
          %dma_start3A_27 = tpu.memref_slice %arg5[%mul3A_13, %dma_start3A_26] : memref<320000x256xf32, #tpu.memory_space<hbm>> -> memref<128x256xf32, #tpu.memory_space<hbm>>
          tpu.enqueue_dma source(%arg8 : memref<128x256xf32, #tpu.memory_space<vmem>>) target(%dma_start3A_27 : memref<128x256xf32, #tpu.memory_space<hbm>>) target_semaphore(%run_scoped3A : memref<!tpu.dma_semaphore, #tpu.memory_space<semaphore_mem>>)
          %dma_wait3A_28 = arith.constant 0 : i32
          %dma_wait3A_29 = tpu.memref_slice %arg5[%mul3A_13, %dma_wait3A_28] : memref<320000x256xf32, #tpu.memory_space<hbm>> -> memref<128x256xf32, #tpu.memory_space<hbm>>
          %dma_wait3A_30 = arith.constant 0 : i32
          %dma_wait3A_31 = tpu.memref_slice %arg5[%mul3A_13, %dma_wait3A_30] : memref<320000x256xf32, #tpu.memory_space<hbm>> -> memref<128x256xf32, #tpu.memory_space<hbm>>
          tpu.wait_dma2 semaphore(%run_scoped3A : memref<!tpu.dma_semaphore, #tpu.memory_space<semaphore_mem>>) src(%arg8 : memref<128x256xf32, #tpu.memory_space<vmem>>) dst(%dma_wait3A_31 : memref<128x256xf32, #tpu.memory_space<hbm>>)
          tpu.yield
        }) : () -> ()
        "tpu.region"() ({
          %run_scoped3A = tpu.sem_alloc : memref<!tpu.dma_semaphore, #tpu.memory_space<semaphore_mem>>
          %dma_start3A_24 = tpu.memref_slice %arg4[%mul3A_13] : memref<320000xi32, #tpu.memory_space<hbm>> -> memref<128xi32, #tpu.memory_space<hbm>>
          %dma_start3A_25 = tpu.memref_slice %arg4[%mul3A_13] : memref<320000xi32, #tpu.memory_space<hbm>> -> memref<128xi32, #tpu.memory_space<hbm>>
          tpu.enqueue_dma source(%dma_start3A_25 : memref<128xi32, #tpu.memory_space<hbm>>) target(%arg7 : memref<128xi32, #tpu.memory_space<vmem>>) target_semaphore(%run_scoped3A : memref<!tpu.dma_semaphore, #tpu.memory_space<semaphore_mem>>)
          %dma_wait3A_26 = tpu.memref_slice %arg4[%mul3A_13] : memref<320000xi32, #tpu.memory_space<hbm>> -> memref<128xi32, #tpu.memory_space<hbm>>
          %dma_wait3A_27 = tpu.memref_slice %arg4[%mul3A_13] : memref<320000xi32, #tpu.memory_space<hbm>> -> memref<128xi32, #tpu.memory_space<hbm>>
          tpu.wait_dma2 semaphore(%run_scoped3A : memref<!tpu.dma_semaphore, #tpu.memory_space<semaphore_mem>>) src(%dma_wait3A_27 : memref<128xi32, #tpu.memory_space<hbm>>) dst(%arg7 : memref<128xi32, #tpu.memory_space<vmem>>)
          tpu.yield
        }) : () -> ()
        %dma_start3A_18 = arith.constant 0 : i32
        %dma_start3A_19 = arith.constant 0 : i32
        %dma_start3A_20 = tpu.memref_slice %arg2[%dma_start3A_18, %dma_start3A_19] : memref<10000x256xf32, #tpu.memory_space<hbm>> -> memref<10000x256xf32, #tpu.memory_space<hbm>>
        tpu.enqueue_indirect_dma source(%dma_start3A_20 : memref<10000x256xf32, #tpu.memory_space<hbm>>) target(%arg8 : memref<128x256xf32, #tpu.memory_space<vmem>>) offsets(%arg7 : memref<128xi32, #tpu.memory_space<vmem>>) semaphore(%arg9 : memref<!tpu.dma_semaphore, #tpu.memory_space<semaphore_mem>>)
        %dma_wait3A_21 = arith.constant 0 : i32
        %dma_wait3A_22 = arith.constant 0 : i32
        %dma_wait3A_23 = tpu.memref_slice %arg2[%dma_wait3A_21, %dma_wait3A_22] : memref<10000x256xf32, #tpu.memory_space<hbm>> -> memref<10000x256xf32, #tpu.memory_space<hbm>>
        tpu.wait_indirect_dma semaphore(%arg9 : memref<!tpu.dma_semaphore, #tpu.memory_space<semaphore_mem>>) src(%dma_wait3A_23 : memref<10000x256xf32, #tpu.memory_space<hbm>>) dst(%arg8 : memref<128x256xf32, #tpu.memory_space<vmem>>)
        "tpu.region"() ({
          %run_scoped3A = tpu.sem_alloc : memref<!tpu.dma_semaphore, #tpu.memory_space<semaphore_mem>>
          %dma_start3A_24 = arith.constant 0 : i32
          %dma_start3A_25 = tpu.memref_slice %arg6[%mul3A_13, %dma_start3A_24] : memref<320000x256xf32, #tpu.memory_space<hbm>> -> memref<128x256xf32, #tpu.memory_space<hbm>>
          %dma_start3A_26 = arith.constant 0 : i32
          %dma_start3A_27 = tpu.memref_slice %arg6[%mul3A_13, %dma_start3A_26] : memref<320000x256xf32, #tpu.memory_space<hbm>> -> memref<128x256xf32, #tpu.memory_space<hbm>>
          tpu.enqueue_dma source(%arg8 : memref<128x256xf32, #tpu.memory_space<vmem>>) target(%dma_start3A_27 : memref<128x256xf32, #tpu.memory_space<hbm>>) target_semaphore(%run_scoped3A : memref<!tpu.dma_semaphore, #tpu.memory_space<semaphore_mem>>)
          %dma_wait3A_28 = arith.constant 0 : i32
          %dma_wait3A_29 = tpu.memref_slice %arg6[%mul3A_13, %dma_wait3A_28] : memref<320000x256xf32, #tpu.memory_space<hbm>> -> memref<128x256xf32, #tpu.memory_space<hbm>>
          %dma_wait3A_30 = arith.constant 0 : i32
          %dma_wait3A_31 = tpu.memref_slice %arg6[%mul3A_13, %dma_wait3A_30] : memref<320000x256xf32, #tpu.memory_space<hbm>> -> memref<128x256xf32, #tpu.memory_space<hbm>>
          tpu.wait_dma2 semaphore(%run_scoped3A : memref<!tpu.dma_semaphore, #tpu.memory_space<semaphore_mem>>) src(%arg8 : memref<128x256xf32, #tpu.memory_space<vmem>>) dst(%dma_wait3A_31 : memref<128x256xf32, #tpu.memory_space<hbm>>)
          tpu.yield
        }) : () -> ()
      } else {
      }
    }
    %scan3A_5 = arith.constant 79 : i32
    return
  }
}

</mosaic_0001>

<sc_bundles>
// kernel: _sc_gather_rows.3.cloned.1.call-start
scs
__scs_entry_jumppad:
0x0: {  	(pc) =	sbr.rel $0x88, $3  }
0x1: {  	(tag) =	ssettag $0x0;
	lr =	simm.s32 $0x1  }
0x2: {  	[smem:$0x3F9E] =	sst lr;
	_ =	strace $0xD0000000  }
0x3: {  	_ = 	snop  }
0x4: {  	_ = 	snop  }
0x5: {  	_ = 	snop  }
0x6: {  	_ = 	snop  }
0x7: {  	_ = 	snop  }
__scs_overlays_trampoline_lowered:
0x8: {  	[smem:$0x3FAD] =	sst s0  }
0x9: {  	[smem:$0x3FAE] =	sst s1  }
0xa: {  	[smem:$0x3FAF] =	sst s2  }
0xb: {  	[smem:$0x3FB0] =	sst s3  }
0xc: {  	[smem:$0x3FB1] =	sst s4  }
0xd: {  	[smem:$0x3FB2] =	sst s5  }
0xe: {  	[smem:$0x3FB3] =	sst s6  }
0xf: {  	[smem:$0x3FB4] =	sst s7  }
0x10: {  	[smem:$0x3FB5] =	sst s8  }
0x11: {  	[smem:$0x3FB6] =	sst s9;
	s0 =	simm.s32 @!p0 $0x0  }
0x12: {  	s1 =	sld [smem:$0x3F9C];
	s0 =	simm.s32 @p0 $0x1  }
0x13: {  	[smem:$0x3FB7] =	sst s0;
	s0 =	simm.s32 @!p1 $0x0  }
0x14: {  	s2 =	sld [smem:$0x3F9B];
	s0 =	simm.s32 @p1 $0x1  }
0x15: {  	[smem:$0x3FB8] =	sst s0;
	s0 =	simm.s32 @!p2 $0x0  }
0x16: {  	s3 =	sld [smem:$0x3FDB];
	s0 =	simm.s32 @p2 $0x1  }
0x17: {  	s4 =	simm.s32 $0x1BF5;
	[smem:$0x3FBA] =	sst s0  }
0x18: {  	s0 =	sld [smem:$0x3F9D];
	_ =	swait.ge [sflag:s4], $0x0  }
0x19: {  	s7 =	sld [smem:$0x3F9E]  }
0x1a: {  	s8 =	sadd.s32 $0xFFFFE003, lr  }
0x1b: {  	s9 =	sadd.s32 $0xFFFFFEF7, lr;
	s5 =	simm.s32 $0xFFFFFFFF;
	p2 =	slt.u32 s8, $0xFFFFF086  }
0x1c: {  	p1 =	slt.u32 s9, $0xF7A;
	s5 =	simm.s32 @!p2 $0x0  }
0x1d: {  	s5 =	simm.s32 @p1 $0x1;
	p0 =	seq.s32 s7, s2  }
0x1e: {  	s7 =	smul.u32 @!p0 $0xF7A, s2;
	p2 =	seq.s32 @!p0 s5, $0x0  }
0x1f: {  	s9 =	smul.u32 $0xF7A, s1;
	s8 =	simm.s32 @!p0 $0x1BF5;
	p2 =	por !p2, p0  }
0x20: {  	[sflag:s8] =	ssyncset.s32 @!p0 $0xFFFFF086;
	s6 =	sadd.s32 @!p0 s3, s7;
	s7 =	simm.s32 @!p0 $0x108  }
0x21: {  	s3 =	sadd.s32 s3, s9;
	s6 =	sadd.s32 @!p0 $0x88, s6;
	s7 =	simm.s32 @p2 $0x1082  }
0x22: {  	[simem:s7], [sflag:s8] =	dma.local @!p0 [hbm:s6], $0xF7A  }
0x23: {  	s9 =	sor.u32 $0xD0000000, s2;
	s6 =	simm.s32 $0x108;
	_ =	swait.ge @!p0 [sflag:s8], $0x0  }
0x24: {  	s3 =	sadd.s32 $0x88, s3;
	s6 =	simm.s32 @!p1 $0x1082;
	[sflag:s4] =	ssyncset.s32 $0xFFFFF086  }
0x25: {  	[simem:s6], [sflag:s4] =	dma.local [hbm:s3], $0xF7A  }
0x26: {  	[smem:$0x3F9E] =	sst s1;
	(tag) =	ssettag s2;
	_ =	strace s9  }
0x27: {  	s1 =	sld [smem:$0x3FAE]  }
0x28: {  	s2 =	sld [smem:$0x3FAF]  }
0x29: {  	s4 =	sld [smem:$0x3FB1]  }
0x2a: {  	p0 =	seq.s32 s5, $0x0;
	s5 =	sld [smem:$0x3FB2]  }
0x2b: {  	s6 =	sld [smem:$0x3FB3]  }
0x2c: {  	s7 =	sld [smem:$0x3FB4]  }
0x2d: {  	s3 =	simm.s32 $0x108;
	s8 =	sld [smem:$0x3FB5]  }
0x2e: {  	s3 =	simm.s32 @!p0 $0x1082;
	s9 =	sld [smem:$0x3FB6]  }
0x2f: {  	lr =	sadd.s32 s0, s3;
	s0 =	sld [smem:$0x3FAD]  }
0x30: {  	s3 =	sld [smem:$0x3FB0]  }
0x31: {  	[smem:$0x3FB9] =	sst s10  }
0x32: {  	s10 =	sld [smem:$0x3FB7];
	_ =	sdelay $0x3  }
0x33: {  	p0 =	seq.s32 s10, $0x1;
	s10 =	sld [smem:$0x3FB9];
	_ =	sdelay $0x3  }
0x34: {  	[smem:$0x3FB9] =	sst s10  }
0x35: {  	s10 =	sld [smem:$0x3FB8];
	_ =	sdelay $0x3  }
0x36: {  	p1 =	seq.s32 s10, $0x1;
	s10 =	sld [smem:$0x3FB9];
	_ =	sdelay $0x3  }
0x37: {  	[smem:$0x3FB9] =	sst s10  }
0x38: {  	s10 =	sld [smem:$0x3FBA]  }
0x39: {  	_ = 	snop;
	(pc) =	sbr.ind lr, $3  }
0x3a: {  	_ = 	snop  }
0x3b: {  	_ = 	snop  }
0x3c: {  	p2 =	seq.s32 s10, $0x1;
	s10 =	sld [smem:$0x3FB9]  }
0x3d: {  	_ =	shalt  }
0x3e: {  	_ =	shalt  }
0x3f: {  	_ =	shalt  }
0x40: {  	_ =	shalt  }
0x41: {  	_ =	shalt  }
0x42: {  	_ =	shalt  }
0x43: {  	_ =	shalt  }
0x44: {  	_ =	shalt  }
0x45: {  	_ =	shalt  }
0x46: {  	_ =	shalt  }
0x47: {  	_ =	shalt  }
0x48: {  	_ =	shalt  }
0x49: {  	_ =	shalt  }
0x4a: {  	_ =	shalt  }
0x4b: {  	_ =	shalt  }
0x4c: {  	_ =	shalt  }
0x4d: {  	_ =	shalt  }
0x4e: {  	_ =	shalt  }
0x4f: {  	_ =	shalt  }
0x50: {  	_ =	shalt  }
0x51: {  	_ =	shalt  }
0x52: {  	_ =	shalt  }
0x53: {  	_ =	shalt  }
0x54: {  	_ =	shalt  }
0x55: {  	_ =	shalt  }
0x56: {  	_ =	shalt  }
0x57: {  	_ =	shalt  }
0x58: {  	_ =	shalt  }
0x59: {  	_ =	shalt  }
0x5a: {  	_ =	shalt  }
0x5b: {  	_ =	shalt  }
0x5c: {  	_ =	shalt  }
0x5d: {  	_ =	shalt  }
0x5e: {  	_ =	shalt  }
0x5f: {  	_ =	shalt  }
0x60: {  	_ =	shalt  }
0x61: {  	_ =	shalt  }
0x62: {  	_ =	shalt  }
0x63: {  	_ =	shalt  }
0x64: {  	_ =	shalt  }
0x65: {  	_ =	shalt  }
0x66: {  	_ =	shalt  }
0x67: {  	_ =	shalt  }
0x68: {  	_ =	shalt  }
0x69: {  	_ =	shalt  }
0x6a: {  	_ =	shalt  }
0x6b: {  	_ =	shalt  }
0x6c: {  	_ =	shalt  }
0x6d: {  	_ =	shalt  }
0x6e: {  	_ =	shalt  }
0x6f: {  	_ =	shalt  }
0x70: {  	_ =	shalt  }
0x71: {  	_ =	shalt  }
0x72: {  	_ =	shalt  }
0x73: {  	_ =	shalt  }
0x74: {  	_ =	shalt  }
0x75: {  	_ =	shalt  }
0x76: {  	_ =	shalt  }
0x77: {  	_ =	shalt  }
0x78: {  	_ =	shalt  }
0x79: {  	_ =	shalt  }
0x7a: {  	_ =	shalt  }
0x7b: {  	_ =	shalt  }
0x7c: {  	_ =	shalt  }
0x7d: {  	_ =	shalt  }
0x7e: {  	_ =	shalt  }
0x7f: {  	_ =	shalt  }
0x80: {  	_ =	shalt  }
0x81: {  	_ =	shalt  }
0x82: {  	_ =	shalt  }
0x83: {  	_ =	shalt  }
0x84: {  	_ =	shalt  }
0x85: {  	_ =	shalt  }
0x86: {  	_ =	shalt  }
0x87: {  	_ =	shalt  }
.Lfunc_end0:
.L_simem_size_0:
called_computation_lowered:
.L_overlay_start_0:
0x88: {  	s2 =	sld [smem:$0x3FD9]  }
0x89: {  	s3 =	sld [smem:$0x3FFE];
	_ =	sdelay $0x1  }
0x8a: {  	s1 =	srdreg.scid  }
0x8b: {  	s0 =	sand.u32 $0x1, s1  }
0x8c: {  	s15 =	sshll.u32 s0, $0xA;
	s2 =	sadd.s32 s3, s2  }
0x8d: {  	s2 =	sadd.s32 s2, s15  }
0x8e: {  	[smem:$0x3FC5] =	sst s2  }
0x8f: {  	_ = 	snop  }
0x90: {  	s2 =	sld [smem:$0x3FD0]  }
0x91: {  	s16 =	sld [smem:$0x3FC9]  }
0x92: {  	s4 =	sld [smem:$0x3FC8]  }
0x93: {  	s6 =	simm.s32 $0xA;
	s7 =	simm.s32 $0x10;
	s5 =	sld [smem:$0x3FC7]  }
0x94: {  	[smem:s7], [sflag:s6] =	dma.local [hbm:s2], $0x1  }
0x95: {  	_ =	swait.eq [sflag:s6], $0x1  }
0x96: {  	[sflag:s6] =	ssyncset.done $0x0  }
0x97: {  	s17 =	sld [smem:$0x10];
	[sflag:s6] =	ssyncadd.s32 $0xFFFFFFFF  }
0x98: {  	s18 =	sld [smem:$0x11];
	(tm) =	ssettm $0x1  }
0x99: {  	s19 =	sld [smem:$0x3FFB];
	_ =	sdelay $0x3  }
0x9a: {  	_ =	strace s19  }
0x9b: {  	s7 =	sld [smem:$0x3FFC];
	_ =	sdelay $0x3  }
0x9c: {  	_ =	strace s7  }
0x9d: {  	s7 =	sld [smem:$0x3FFD];
	_ =	sdelay $0x3  }
0x9e: {  	_ =	strace s7  }
0x9f: {  	_ =	strace $0x8FFFFFFF  }
0xa0: {  	s20 =	sld [smem:$0x3FDB];
	_ =	sdelay $0x1  }
0xa1: {  	s8 =	simm.s32 $_scs_section_size  }
0xa2: {  	s9 =	simm.s32 $_size__tile_overlayer_lowered;
	s10 =	simm.s32 $_tile_overlayer_lowered  }
0xa3: {  	s23 =	simm.s32 $0x1BFF;
	s22 =	sshll.u32 s10, $0x1;
	s7 =	sadd.s32 s8, s20  }
0xa4: {  	s11 =	simm.s32 $0x0;
	s21 =	sshll.u32 s9, $0x1;
	s9 =	sadd.s32 s22, s7  }
0xa5: {  	[timem:s11], [sflag:s23] =	dma.local [hbm:s9], s21  }
0xa6: {  	_ =	swait.ge [sflag:s23], s21  }
0xa7: {  	s8 =	ssub.s32 $0x0, s21;
	[sflag:s23] =	ssyncset.done $0x0  }
0xa8: {  	[sflag:s23] =	ssyncadd.s32 s8;
	_ =	sdelay $0x1  }
0xa9: {  	s24 =	simm.s32 $0x1B8B  }
0xaa: {  	_ =	swait.ge [sflag:s24], $0x1  }
0xab: {  	[sflag:s24] =	ssyncset.done $0x0  }
0xac: {  	s25 =	simm.s32 $0x1B8E;
	[sflag:s24] =	ssyncadd.s32 $0xFFFFFFFF  }
0xad: {  	s26 =	simm.s32 $execute0_lowered;
	[smem:$0x3FD2] =	sst s25  }
0xae: {  	s8 =	sshll.u32 s26, $0x1;
	_ =	strace $0x80000046;
	[dreg:$0x1] =	wrdreg $0xFFFFFFFF  }
0xaf: {  	s28 =	simm.s32 $_size_execute0_lowered;
	s7 =	sadd.s32 s7, s8;
	[dreg:$0x0] =	wrdreg $0x0  }
0xb0: {  	s8 =	sshll.u32 s28, $0x1;
	[dreg:$0x2] =	wrdreg s7  }
0xb1: {  	[dreg:$0x3] =	wrdreg s8  }
0xb2: {  	[dreg:$0x4] =	wrdreg $0xC0  }
0xb3: {  	_ =	task [dreg:s11], $0x5FFFF  }
0xb4: {  	[dreg:$0x1] =	wrdreg $0xFFFFFFFF  }
0xb5: {  	[dreg:$0x0] =	wrdreg $0x60  }
0xb6: {  	[dreg:$0x2] =	wrdreg s16  }
0xb7: {  	[dreg:$0x3] =	wrdreg s4  }
0xb8: {  	[dreg:$0x4] =	wrdreg s5  }
0xb9: {  	[dreg:$0x5] =	wrdreg s17  }
0xba: {  	[dreg:$0x6] =	wrdreg s18  }
0xbb: {  	[dreg:$0x7] =	wrdreg $0x9  }
0xbc: {  	_ =	task.clear_ibuf [dreg:s11], $0x8FFFF;
	_ =	strace $0x90000046  }
0xbd: {  	s29 =	simm.s32 $0x9;
	_ =	strace $0x80000048  }
0xbe: {  	_ =	swait.ge [sflag:s29], $0x1  }
0xbf: {  	[sflag:s29] =	ssyncadd.s32 $0xFFFFFFFF  }
0xc0: {  	_ =	strace $0x90000048  }
0xc1: {  	_ =	sfence  }
0xc2: {  	s30 =	sld [smem:$0x0];
	_ =	sdelay $0x2  }
0xc3: {  	s31 =	sshll.u32 s1, $0xD;
	s1 =	sshrl.u32 s1, $0x2  }
0xc4: {  	s3 =	sand.u32 $0x4000, s31;
	s1 =	sadd.s32 s1, s30  }
0xc5: {  	s0 =	sor.u32 s3, s0;
	s1 =	sshll.u32 s1, $0x11  }
0xc6: {  	s0 =	sor.u32 s1, s0  }
0xc7: {  	s0 =	sadd.s32 $0x8F2B, s0  }
0xc8: {  	[sflag:s0] =	ssyncadd.remote.s32 $0x1  }
0xc9: {  	_ =	sfence.sel $0xFFFF  }
0xca: {  	[dreg:$0x0] =	wrdreg $0xFFFFFFFF;
	(pc) =	sbr.abs _section_cstart, $3  }
0xcb: {  	[dreg:$0x1] =	wrdreg $0xFFFFFFFF  }
0xcc: {  	_ =	task.clear_ibuf [dreg:s11], $0x2FFFF;
	_ =	strace $0x9FFFFFFF  }
0xcd: {  	(tm) =	ssettm $0x7FFFFFFF  }
tec
execute0_lowered:
.L_overlay_start_1:
0x0: {  	(tag) =	ssettag $0x1  }
0x1: {  	s0 =	rddreg [dreg:$0x0]  }
0x2: {  	s1 =	rddreg [dreg:$0x1]  }
0x3: {  	s2 =	rddreg [dreg:$0x2]  }
0x4: {  	s4 =	rddreg [dreg:$0x3]  }
0x5: {  	s3 =	srdreg.scid;
	s7 =	rddreg [dreg:$0x4]  }
0x6: {  	s11 =	stileid.u32;
	s12 =	simm.s32 $0x880;
	s13 =	simm.s32 $0x1080  }
0x7: {  	s14 =	simm.s32 $0x1880;
	s15 =	simm.s32 $0x2080;
	s16 =	simm.s32 $0x2880  }
0x8: {  	s17 =	simm.s32 $0x3080;
	s18 =	simm.s32 $0x3880;
	s19 =	simm.s32 $0x4080  }
0x9: {  	s20 =	simm.s32 $0x4880;
	s21 =	simm.s32 $0x5080;
	s22 =	simm.s32 $0x5880  }
0xa: {  	s23 =	simm.s32 $0x6080;
	s24 =	simm.s32 $0x6880;
	s28 =	simm.s32 $0x1  }
0xb: {  	s29 =	simm.s32 $0x2;
	s30 =	simm.s32 $0x0;
	s8 =	sand.u32 $0x1, s3  }
0xc: {  	s3 =	simm.s32 $0x0;
	s9 =	sshll.u32 s11, $0x5;
	s25 =	sshll.u32 s11, $0x1  }
0xd: {  	s11 =	sshll.u32 s11, $0xD;
	s5 =	ssub.s32 $0x2, s8;
	[smem:$0x7FF] =	sst s3  }
0xe: {  	s2 =	sadd.s32 s9, s2;
	s10 =	sshll.u32 s8, $0x4;
	s1 =	sadd.s32 s9, s1  }
0xf: {  	s26 =	sadd.s32 s11, s7;
	s8 =	sshll.u32 s8, $0xC;
	s31 =	sadd.s32 s11, s4  }
.Ltmp0:
0x10: {  	s11 =	simm.s32 $0x80;
	s6 =	sshrl.u32 s5, $0x1;
	(pc) =	sbr.rel .LBB2_1-.Ltmp0, $4  }
0x11: {  	_ =	strace $0x80000047;
	[dreg:$0x6] =	wrdreg s25;
	s7 =	sadd.s32 s10, s1  }
0x12: {  	v2 =	vlaneseq.u32;
	s1 =	sadd.s32 s8, s31;
	s25 =	simm.s32 $0x7080;
	s5 =	ssub.s32 s5, s6  }
0x13: {  	vm0 =	vmmov $0xffff;
	v1 =	vshrl.u32 v2, $0x3;
	s6 =	sadd.s32 s10, s2;
	s2 =	sadd.s32 s8, s26;
	s5 =	smax.u32 s5, $0x1  }
0x14: {  	v0 =	vand.u32 $0x7, v2;
	v2 =	vor.u32 $0x8, v2;
	v1 =	vmul.u32 $0x8, v1;
	s10 =	simm.s32 $0x3;
	s26 =	simm.s32 $0x7880;
	[dreg:$0x7] =	wrdreg s5  }
.LBB2_5:
0x15: {  	s30 =	sadd.s32 $0x1, s30;
	s4 =	rddreg [dreg:$0x7]  }
0x16: {  	p0 =	sne.s32 s30, s4  }
.Ltmp1:
0x17: {  	_ = 	snop;
	(pc) =	sbr.rel @!p0 .LBB2_6-.Ltmp1, $1  }
0x18: {  	_ =	sdelay $0x3  }
.LBB2_1:
.Ltmp2:
0x19: {  	(pc) =	sbr.rel .LBB2_2-.Ltmp2, $3  }
0x1a: {  	_ =	sdelay $0x1  }
0x1b: {  	s31 =	rddreg [dreg:$0x6]  }
0x1c: {  	s9 =	smov.u32 s1;
	s8 =	smov.u32 s2;
	s4 =	simm.s32 $0x0  }
.LBB2_4:
0x1d: {  	s4 =	sadd.s32 $0x200, s4  }
0x1e: {  	p0 =	sne.s32 s4, $0x9E00  }
.Ltmp3:
0x1f: {  	_ = 	snop;
	(pc) =	sbr.rel @!p0 .LBB2_5-.Ltmp3, $2  }
0x20: {  	_ =	sdelay $0x2  }
0x21: {  	s8 =	sadd.s32 $0x20000, s8;
	s9 =	sadd.s32 $0x20000, s9;
	s31 =	sadd.s32 $0x20, s31  }
.LBB2_2:
0x22: {  	p0 =	sgt.u32 s31, $0x9C3  }
.Ltmp4:
0x23: {  	_ = 	snop;
	(pc) =	sbr.rel @p0 .LBB2_4-.Ltmp4, $1  }
0x24: {  	_ =	sdelay $0x3  }
0x25: {  	s5 =	sadd.s32 s4, s7  }
0x26: {  	[tilespmem:s3], [sflag:$0x3] =	stream.linear.gather [hbm4b:s5+s3], $0x80, $0x38;
	[tilespmem:$0x8080] =	vst v63  }
0x27: {  	_ =	swait.ge [sflag:s10], $0x80  }
0x28: {  	[sflag:s10] =	ssyncset.done $0x0  }
0x29: {  	[sflag:s10] =	ssyncadd.s32 $0xFFFFFF80  }
0x2a: {  	v3 =	vld [tilespmem:$0x0];
	_ =	sdelay $0x4  }
0x2b: {  	v4 =	vshll.u32 v3, $0x1  }
0x2c: {  	v3 =	vand.u32 $0x7, v3;
	v4 =	vand.u32 $0xFFFFFFF0, v4  }
0x2d: {  	v3 =	vor.u32 v3, v4  }
0x2e: {  	v4 =	vperm.xlane v3, v0;
	_ =	sdelay $0x1  }
0x2f: {  	v3 =	vperm.xlane v3, v2;
	v4 =	vadd.s32 v1, v4;
	_ =	sdelay $0x1  }
0x30: {  	v3 =	vadd.s32 v1, v3;
	_ =	sdelay $0x2  }
0x31: {  	[tilespmem:s11], [sflag:$0x1] =	stream.indirect_vreg.gather [hbm4b:s0+s3], $0x80, v4, vm0, $0xb8;
	[tilespmem:$0x8080] =	vst v63  }
0x32: {  	_ = 	snop  }
0x33: {  	[tilespmem:s12], [sflag:$0x1] =	stream.indirect_vreg.gather [hbm4b:s0+s3], $0x80, v3, vm0, $0xb8;
	[tilespmem:$0x8080] =	vst v63  }
0x34: {  	v3 =	vld [tilespmem:$0x10];
	_ =	sdelay $0x4  }
0x35: {  	v49 =	vshll.u32 v3, $0x1  }
0x36: {  	v3 =	vand.u32 $0x7, v3;
	v4 =	vand.u32 $0xFFFFFFF0, v49  }
0x37: {  	v3 =	vor.u32 v3, v4  }
0x38: {  	v4 =	vperm.xlane v3, v0;
	_ =	sdelay $0x1  }
0x39: {  	v3 =	vperm.xlane v3, v2;
	v4 =	vadd.s32 v1, v4;
	_ =	sdelay $0x1  }
0x3a: {  	v3 =	vadd.s32 v1, v3;
	_ =	sdelay $0x2  }
0x3b: {  	[tilespmem:s13], [sflag:$0x1] =	stream.indirect_vreg.gather [hbm4b:s0+s3], $0x80, v4, vm0, $0xb8;
	[tilespmem:$0x8080] =	vst v63  }
0x3c: {  	_ = 	snop  }
0x3d: {  	[tilespmem:s14], [sflag:$0x1] =	stream.indirect_vreg.gather [hbm4b:s0+s3], $0x80, v3, vm0, $0xb8;
	[tilespmem:$0x8080] =	vst v63  }
0x3e: {  	v3 =	vld [tilespmem:$0x20];
	_ =	sdelay $0x4  }
0x3f: {  	v50 =	vshll.u32 v3, $0x1  }
0x40: {  	v3 =	vand.u32 $0x7, v3;
	v4 =	vand.u32 $0xFFFFFFF0, v50  }
0x41: {  	v3 =	vor.u32 v3, v4  }
0x42: {  	v4 =	vperm.xlane v3, v0;
	_ =	sdelay $0x1  }
0x43: {  	v3 =	vperm.xlane v3, v2;
	v4 =	vadd.s32 v1, v4;
	_ =	sdelay $0x1  }
0x44: {  	v3 =	vadd.s32 v1, v3;
	_ =	sdelay $0x2  }
0x45: {  	[tilespmem:s15], [sflag:$0x1] =	stream.indirect_vreg.gather [hbm4b:s0+s3], $0x80, v4, vm0, $0xb8;
	[tilespmem:$0x8080] =	vst v63  }
0x46: {  	_ = 	snop  }
0x47: {  	[tilespmem:s16], [sflag:$0x1] =	stream.indirect_vreg.gather [hbm4b:s0+s3], $0x80, v3, vm0, $0xb8;
	[tilespmem:$0x8080] =	vst v63  }
0x48: {  	v3 =	vld [tilespmem:$0x30];
	_ =	sdelay $0x4  }
0x49: {  	v51 =	vshll.u32 v3, $0x1  }
0x4a: {  	v3 =	vand.u32 $0x7, v3;
	v4 =	vand.u32 $0xFFFFFFF0, v51  }
0x4b: {  	v3 =	vor.u32 v3, v4  }
0x4c: {  	v4 =	vperm.xlane v3, v0;
	_ =	sdelay $0x1  }
0x4d: {  	v3 =	vperm.xlane v3, v2;
	v4 =	vadd.s32 v1, v4;
	_ =	sdelay $0x1  }
0x4e: {  	v3 =	vadd.s32 v1, v3;
	_ =	sdelay $0x2  }
0x4f: {  	[tilespmem:s17], [sflag:$0x1] =	stream.indirect_vreg.gather [hbm4b:s0+s3], $0x80, v4, vm0, $0xb8;
	[tilespmem:$0x8080] =	vst v63  }
0x50: {  	_ = 	snop  }
0x51: {  	[tilespmem:s18], [sflag:$0x1] =	stream.indirect_vreg.gather [hbm4b:s0+s3], $0x80, v3, vm0, $0xb8;
	[tilespmem:$0x8080] =	vst v63  }
0x52: {  	v3 =	vld [tilespmem:$0x40];
	_ =	sdelay $0x4  }
0x53: {  	v52 =	vshll.u32 v3, $0x1  }
0x54: {  	v3 =	vand.u32 $0x7, v3;
	v4 =	vand.u32 $0xFFFFFFF0, v52  }
0x55: {  	v3 =	vor.u32 v3, v4  }
0x56: {  	v4 =	vperm.xlane v3, v0;
	_ =	sdelay $0x1  }
0x57: {  	v3 =	vperm.xlane v3, v2;
	v4 =	vadd.s32 v1, v4;
	_ =	sdelay $0x1  }
0x58: {  	v3 =	vadd.s32 v1, v3;
	_ =	sdelay $0x2  }
0x59: {  	[tilespmem:s19], [sflag:$0x1] =	stream.indirect_vreg.gather [hbm4b:s0+s3], $0x80, v4, vm0, $0xb8;
	[tilespmem:$0x8080] =	vst v63  }
0x5a: {  	_ = 	snop  }
0x5b: {  	[tilespmem:s20], [sflag:$0x1] =	stream.indirect_vreg.gather [hbm4b:s0+s3], $0x80, v3, vm0, $0xb8;
	[tilespmem:$0x8080] =	vst v63  }
0x5c: {  	v3 =	vld [tilespmem:$0x50];
	_ =	sdelay $0x4  }
0x5d: {  	v53 =	vshll.u32 v3, $0x1  }
0x5e: {  	v3 =	vand.u32 $0x7, v3;
	v4 =	vand.u32 $0xFFFFFFF0, v53  }
0x5f: {  	v3 =	vor.u32 v3, v4  }
0x60: {  	v4 =	vperm.xlane v3, v0;
	_ =	sdelay $0x1  }
0x61: {  	v3 =	vperm.xlane v3, v2;
	v4 =	vadd.s32 v1, v4;
	_ =	sdelay $0x1  }
0x62: {  	v3 =	vadd.s32 v1, v3;
	_ =	sdelay $0x2  }
0x63: {  	[tilespmem:s21], [sflag:$0x1] =	stream.indirect_vreg.gather [hbm4b:s0+s3], $0x80, v4, vm0, $0xb8;
	[tilespmem:$0x8080] =	vst v63  }
0x64: {  	_ = 	snop  }
0x65: {  	[tilespmem:s22], [sflag:$0x1] =	stream.indirect_vreg.gather [hbm4b:s0+s3], $0x80, v3, vm0, $0xb8;
	[tilespmem:$0x8080] =	vst v63  }
0x66: {  	v3 =	vld [tilespmem:$0x60];
	_ =	sdelay $0x4  }
0x67: {  	v54 =	vshll.u32 v3, $0x1  }
0x68: {  	v3 =	vand.u32 $0x7, v3;
	v4 =	vand.u32 $0xFFFFFFF0, v54  }
0x69: {  	v3 =	vor.u32 v3, v4  }
0x6a: {  	v4 =	vperm.xlane v3, v0;
	_ =	sdelay $0x1  }
0x6b: {  	v3 =	vperm.xlane v3, v2;
	v4 =	vadd.s32 v1, v4;
	_ =	sdelay $0x1  }
0x6c: {  	v3 =	vadd.s32 v1, v3;
	_ =	sdelay $0x2  }
0x6d: {  	[tilespmem:s23], [sflag:$0x1] =	stream.indirect_vreg.gather [hbm4b:s0+s3], $0x80, v4, vm0, $0xb8;
	[tilespmem:$0x8080] =	vst v63  }
0x6e: {  	_ = 	snop  }
0x6f: {  	[tilespmem:s24], [sflag:$0x1] =	stream.indirect_vreg.gather [hbm4b:s0+s3], $0x80, v3, vm0, $0xb8;
	[tilespmem:$0x8080] =	vst v63  }
0x70: {  	v3 =	vld [tilespmem:$0x70];
	_ =	sdelay $0x4  }
0x71: {  	v55 =	vshll.u32 v3, $0x1  }
0x72: {  	v3 =	vand.u32 $0x7, v3;
	v4 =	vand.u32 $0xFFFFFFF0, v55  }
0x73: {  	v3 =	vor.u32 v3, v4  }
0x74: {  	v4 =	vperm.xlane v3, v0;
	_ =	sdelay $0x1  }
0x75: {  	v3 =	vperm.xlane v3, v2;
	v4 =	vadd.s32 v1, v4;
	_ =	sdelay $0x1  }
0x76: {  	v3 =	vadd.s32 v1, v3;
	_ =	sdelay $0x2  }
0x77: {  	[tilespmem:s25], [sflag:$0x1] =	stream.indirect_vreg.gather [hbm4b:s0+s3], $0x80, v4, vm0, $0xb8;
	[tilespmem:$0x8080] =	vst v63  }
0x78: {  	_ = 	snop  }
0x79: {  	[tilespmem:s26], [sflag:$0x1] =	stream.indirect_vreg.gather [hbm4b:s0+s3], $0x80, v3, vm0, $0xb8;
	[tilespmem:$0x8080] =	vst v63  }
0x7a: {  	_ =	swait.ge [sflag:s28], $0x8000  }
0x7b: {  	[sflag:s28] =	ssyncset.done $0x0  }
0x7c: {  	[sflag:s28] =	ssyncadd.s32 $0xFFFF8000  }
0x7d: {  	[hbm4b:s9+s3] =	stream.linear.scatter [tilespmem:s11], [sflag:$0x3], $0x8000, $0x38;
	[tilespmem:$0x8080] =	vst v63  }
0x7e: {  	_ =	swait.ge [sflag:s10], $0x8000  }
0x7f: {  	[sflag:s10] =	ssyncset.done $0x0  }
0x80: {  	s5 =	sadd.s32 s4, s6;
	[sflag:s10] =	ssyncadd.s32 $0xFFFF8000  }
0x81: {  	[tilespmem:s3], [sflag:$0x3] =	stream.linear.gather [hbm4b:s5+s3], $0x80, $0x38;
	[tilespmem:$0x8080] =	vst v63  }
0x82: {  	_ =	swait.ge [sflag:s10], $0x80  }
0x83: {  	[sflag:s10] =	ssyncset.done $0x0  }
0x84: {  	[sflag:s10] =	ssyncadd.s32 $0xFFFFFF80  }
0x85: {  	v3 =	vld [tilespmem:$0x0];
	_ =	sdelay $0x4  }
0x86: {  	v56 =	vshll.u32 v3, $0x1  }
0x87: {  	v3 =	vand.u32 $0x7, v3;
	v4 =	vand.u32 $0xFFFFFFF0, v56  }
0x88: {  	v3 =	vor.u32 v3, v4  }
0x89: {  	v4 =	vperm.xlane v3, v0;
	_ =	sdelay $0x1  }
0x8a: {  	v3 =	vperm.xlane v3, v2;
	v4 =	vadd.s32 v1, v4;
	_ =	sdelay $0x1  }
0x8b: {  	v3 =	vadd.s32 v1, v3;
	_ =	sdelay $0x2  }
0x8c: {  	[tilespmem:s11], [sflag:$0x1] =	stream.indirect_vreg.gather [hbm4b:s0+s3], $0x80, v4, vm0, $0xb8;
	[tilespmem:$0x8080] =	vst v63  }
0x8d: {  	_ = 	snop  }
0x8e: {  	[tilespmem:s12], [sflag:$0x1] =	stream.indirect_vreg.gather [hbm4b:s0+s3], $0x80, v3, vm0, $0xb8;
	[tilespmem:$0x8080] =	vst v63  }
0x8f: {  	v3 =	vld [tilespmem:$0x10];
	_ =	sdelay $0x4  }
0x90: {  	v57 =	vshll.u32 v3, $0x1  }
0x91: {  	v3 =	vand.u32 $0x7, v3;
	v4 =	vand.u32 $0xFFFFFFF0, v57  }
0x92: {  	v3 =	vor.u32 v3, v4  }
0x93: {  	v4 =	vperm.xlane v3, v0;
	_ =	sdelay $0x1  }
0x94: {  	v3 =	vperm.xlane v3, v2;
	v4 =	vadd.s32 v1, v4;
	_ =	sdelay $0x1  }
0x95: {  	v3 =	vadd.s32 v1, v3;
	_ =	sdelay $0x2  }
0x96: {  	[tilespmem:s13], [sflag:$0x1] =	stream.indirect_vreg.gather [hbm4b:s0+s3], $0x80, v4, vm0, $0xb8;
	[tilespmem:$0x8080] =	vst v63  }
0x97: {  	_ = 	snop  }
0x98: {  	[tilespmem:s14], [sflag:$0x1] =	stream.indirect_vreg.gather [hbm4b:s0+s3], $0x80, v3, vm0, $0xb8;
	[tilespmem:$0x8080] =	vst v63  }
0x99: {  	v3 =	vld [tilespmem:$0x20];
	_ =	sdelay $0x4  }
0x9a: {  	v58 =	vshll.u32 v3, $0x1  }
0x9b: {  	v3 =	vand.u32 $0x7, v3;
	v4 =	vand.u32 $0xFFFFFFF0, v58  }
0x9c: {  	v3 =	vor.u32 v3, v4  }
0x9d: {  	v4 =	vperm.xlane v3, v0;
	_ =	sdelay $0x1  }
0x9e: {  	v3 =	vperm.xlane v3, v2;
	v4 =	vadd.s32 v1, v4;
	_ =	sdelay $0x1  }
0x9f: {  	v3 =	vadd.s32 v1, v3;
	_ =	sdelay $0x2  }
0xa0: {  	[tilespmem:s15], [sflag:$0x1] =	stream.indirect_vreg.gather [hbm4b:s0+s3], $0x80, v4, vm0, $0xb8;
	[tilespmem:$0x8080] =	vst v63  }
0xa1: {  	_ = 	snop  }
0xa2: {  	[tilespmem:s16], [sflag:$0x1] =	stream.indirect_vreg.gather [hbm4b:s0+s3], $0x80, v3, vm0, $0xb8;
	[tilespmem:$0x8080] =	vst v63  }
0xa3: {  	v3 =	vld [tilespmem:$0x30];
	_ =	sdelay $0x4  }
0xa4: {  	v59 =	vshll.u32 v3, $0x1  }
0xa5: {  	v3 =	vand.u32 $0x7, v3;
	v4 =	vand.u32 $0xFFFFFFF0, v59  }
0xa6: {  	v3 =	vor.u32 v3, v4  }
0xa7: {  	v4 =	vperm.xlane v3, v0;
	_ =	sdelay $0x1  }
0xa8: {  	v3 =	vperm.xlane v3, v2;
	v4 =	vadd.s32 v1, v4;
	_ =	sdelay $0x1  }
0xa9: {  	v3 =	vadd.s32 v1, v3;
	_ =	sdelay $0x2  }
0xaa: {  	[tilespmem:s17], [sflag:$0x1] =	stream.indirect_vreg.gather [hbm4b:s0+s3], $0x80, v4, vm0, $0xb8;
	[tilespmem:$0x8080] =	vst v63  }
0xab: {  	_ = 	snop  }
0xac: {  	[tilespmem:s18], [sflag:$0x1] =	stream.indirect_vreg.gather [hbm4b:s0+s3], $0x80, v3, vm0, $0xb8;
	[tilespmem:$0x8080] =	vst v63  }
0xad: {  	v3 =	vld [tilespmem:$0x40];
	_ =	sdelay $0x4  }
0xae: {  	v60 =	vshll.u32 v3, $0x1  }
0xaf: {  	v3 =	vand.u32 $0x7, v3;
	v4 =	vand.u32 $0xFFFFFFF0, v60  }
0xb0: {  	v3 =	vor.u32 v3, v4  }
0xb1: {  	v4 =	vperm.xlane v3, v0;
	_ =	sdelay $0x1  }
0xb2: {  	v3 =	vperm.xlane v3, v2;
	v4 =	vadd.s32 v1, v4;
	_ =	sdelay $0x1  }
0xb3: {  	v3 =	vadd.s32 v1, v3;
	_ =	sdelay $0x2  }
0xb4: {  	[tilespmem:s19], [sflag:$0x1] =	stream.indirect_vreg.gather [hbm4b:s0+s3], $0x80, v4, vm0, $0xb8;
	[tilespmem:$0x8080] =	vst v63  }
0xb5: {  	_ = 	snop  }
0xb6: {  	[tilespmem:s20], [sflag:$0x1] =	stream.indirect_vreg.gather [hbm4b:s0+s3], $0x80, v3, vm0, $0xb8;
	[tilespmem:$0x8080] =	vst v63  }
0xb7: {  	v3 =	vld [tilespmem:$0x50];
	_ =	sdelay $0x4  }
0xb8: {  	v61 =	vshll.u32 v3, $0x1  }
0xb9: {  	v3 =	vand.u32 $0x7, v3;
	v4 =	vand.u32 $0xFFFFFFF0, v61  }
0xba: {  	v3 =	vor.u32 v3, v4  }
0xbb: {  	v4 =	vperm.xlane v3, v0;
	_ =	sdelay $0x1  }
0xbc: {  	v3 =	vperm.xlane v3, v2;
	v4 =	vadd.s32 v1, v4;
	_ =	sdelay $0x1  }
0xbd: {  	v3 =	vadd.s32 v1, v3;
	_ =	sdelay $0x2  }
0xbe: {  	[tilespmem:s21], [sflag:$0x1] =	stream.indirect_vreg.gather [hbm4b:s0+s3], $0x80, v4, vm0, $0xb8;
	[tilespmem:$0x8080] =	vst v63  }
0xbf: {  	_ = 	snop  }
0xc0: {  	[tilespmem:s22], [sflag:$0x1] =	stream.indirect_vreg.gather [hbm4b:s0+s3], $0x80, v3, vm0, $0xb8;
	[tilespmem:$0x8080] =	vst v63  }
0xc1: {  	v3 =	vld [tilespmem:$0x60];
	_ =	sdelay $0x4  }
0xc2: {  	v62 =	vshll.u32 v3, $0x1  }
0xc3: {  	v3 =	vand.u32 $0x7, v3;
	v4 =	vand.u32 $0xFFFFFFF0, v62  }
0xc4: {  	v3 =	vor.u32 v3, v4  }
0xc5: {  	v4 =	vperm.xlane v3, v0;
	_ =	sdelay $0x1  }
0xc6: {  	v3 =	vperm.xlane v3, v2;
	v4 =	vadd.s32 v1, v4;
	_ =	sdelay $0x1  }
0xc7: {  	v3 =	vadd.s32 v1, v3;
	_ =	sdelay $0x2  }
0xc8: {  	[tilespmem:s23], [sflag:$0x1] =	stream.indirect_vreg.gather [hbm4b:s0+s3], $0x80, v4, vm0, $0xb8;
	[tilespmem:$0x8080] =	vst v63  }
0xc9: {  	_ = 	snop  }
0xca: {  	[tilespmem:s24], [sflag:$0x1] =	stream.indirect_vreg.gather [hbm4b:s0+s3], $0x80, v3, vm0, $0xb8;
	[tilespmem:$0x8080] =	vst v63  }
0xcb: {  	v3 =	vld [tilespmem:$0x70];
	_ =	sdelay $0x4  }
0xcc: {  	v63 =	vshll.u32 v3, $0x1  }
0xcd: {  	v3 =	vand.u32 $0x7, v3;
	v4 =	vand.u32 $0xFFFFFFF0, v63  }
0xce: {  	v3 =	vor.u32 v3, v4  }
0xcf: {  	v4 =	vperm.xlane v3, v0;
	_ =	sdelay $0x1  }
0xd0: {  	v3 =	vperm.xlane v3, v2;
	v4 =	vadd.s32 v1, v4;
	_ =	sdelay $0x1  }
0xd1: {  	v3 =	vadd.s32 v1, v3;
	_ =	sdelay $0x2  }
0xd2: {  	[tilespmem:s25], [sflag:$0x1] =	stream.indirect_vreg.gather [hbm4b:s0+s3], $0x80, v4, vm0, $0xb8;
	[tilespmem:$0x8080] =	vst v63  }
0xd3: {  	_ = 	snop  }
0xd4: {  	[tilespmem:s26], [sflag:$0x1] =	stream.indirect_vreg.gather [hbm4b:s0+s3], $0x80, v3, vm0, $0xb8;
	[tilespmem:$0x8080] =	vst v63  }
0xd5: {  	_ =	swait.ge [sflag:s28], $0x8000  }
0xd6: {  	[sflag:s28] =	ssyncset.done $0x0  }
.Ltmp5:
0xd7: {  	[sflag:s28] =	ssyncadd.s32 $0xFFFF8000;
	(pc) =	sbr.rel .LBB2_4-.Ltmp5, $4  }
0xd8: {  	[hbm4b:s8+s3] =	stream.linear.scatter [tilespmem:s11], [sflag:$0x2], $0x8000, $0x38;
	[tilespmem:$0x8080] =	vst v63  }
0xd9: {  	_ =	swait.ge [sflag:s29], $0x8000  }
0xda: {  	[sflag:s29] =	ssyncset.done $0x0  }
0xdb: {  	[sflag:s29] =	ssyncadd.s32 $0xFFFF8000  }
.LBB2_6:
0xdc: {  	_ =	sfence.sel $0x180000  }
0xdd: {  	[bflag:$0x0] =	sbarrier.arrive $0xFFFF  }
0xde: {  	_ =	strace $0x90000047  }
0xdf: {  	s0 =	stileid.u32;
	[bflag:$0x2] =	sbarrier.arrive $0xFFFF  }
0xe0: {  	p0 =	sne.s32 s0, $0x0;
	s0 =	rddreg [dreg:$0x5]  }
0xe1: {  	s0 =	sadd.s32 @!p0 $0x100000, s0  }
0xe2: {  	[sflag:s0] =	ssyncadd.tile.s32 @!p0 $0x1;
	_ =	shalt  }
.Lfunc_end2:
_tile_overlayer_lowered:
.L_overlay_start_2:
0xe3: {  	(tag) =	ssettag $0x2  }
0xe4: {  	s0 =	rddreg [dreg:$0x0];
	s2 =	stileid.u32  }
0xe5: {  	s1 =	rddreg [dreg:$0x1];
	p0 =	sne.s32 s2, $0x0  }
0xe6: {  	s3 =	rddreg [dreg:$0x2];
	[bflag:$0x3] =	sbarrier.arrive $0xFFFF;
	s2 =	simm.s32 @!p0 $0x1C02  }
0xe7: {  	[timem:s3], [sflag:s2] =	dma.local @!p0 [hbm:s0], s1  }
0xe8: {  	s0 =	simm.s32 @!p0 $0x2  }
0xe9: {  	_ =	swait.ge @!p0 [sflag:s0], s1  }
0xea: {  	s1 =	ssub.s32 @!p0 $0x0, s1;
	[sflag:s0] =	ssyncset.done @!p0 $0x0  }
0xeb: {  	[sflag:s0] =	ssyncadd.s32 @!p0 s1  }
0xec: {  	[bflag:$0x3] =	sbarrier.arrive $0xFFFF  }
0xed: {  	_ =	shalt  }

</sc_bundles>
